<compile_context>
chip_gen: v7x
topology: tpu7x:2x2x1
jax: 0.10.2.dev20260603
libtpu: 0.0.44.dev20260713+nightly
codegen_flags: <defaults>
</compile_context>

<pallas_src>
import functools

import jax
import jax.numpy as jnp
from jax import lax
from jax.experimental import pallas as pl
from jax.experimental.pallas import tpu as pltpu
from jax.experimental.pallas import tpu_sc as plsc

_B, _L = 16384, 200

_INFO = plsc.get_sparse_core_info()
_NC = _INFO.num_cores
_NS = _INFO.num_subcores
_LANES = _INFO.num_lanes
_NW = _NC * _NS

_SC_COLS = 8192
_TC_COLS = _B - _SC_COLS
_COLS_W = _SC_COLS // _NW
assert _COLS_W * _NW == _SC_COLS and _COLS_W % _LANES == 0
_TC_BLK = 1024
assert _TC_COLS % _TC_BLK == 0 and _SC_COLS % _TC_BLK == 0


def _mask_eq_acc(x, acc):
    input_mask = x != 0
    random_mask = jnp.zeros(x.shape, jnp.bool_)
    mask_no_alter = jnp.logical_and(random_mask, input_mask)
    mask_alter = jnp.logical_and(random_mask, input_mask)
    eq = mask_no_alter == mask_alter
    return jnp.logical_and(acc, eq)


def _make_sc_kernel():
    mesh = plsc.VectorSubcoreMesh(core_axis_name="c", subcore_axis_name="s")

    @functools.partial(
        pl.kernel,
        mesh=mesh,
        out_type=jax.ShapeDtypeStruct((_NW, _LANES), jnp.int32),
        scratch_types=[
            pltpu.VMEM((_L, _COLS_W), jnp.int32),
            pltpu.VMEM((_LANES,), jnp.int32),
            pltpu.SemaphoreType.DMA,
        ],
        compiler_params=pltpu.CompilerParams(use_tc_tiling_on_sc=True),
    )
    def sc_masks_equal(tokens_hbm, out_hbm, buf, res, sem):
        wid = lax.axis_index("s") * _NC + lax.axis_index("c")
        base = wid * _COLS_W
        pltpu.async_copy(tokens_hbm.at[:, pl.ds(base, _COLS_W)], buf, sem).wait()

        def step(r, acc):
            for v in range(_COLS_W // _LANES):
                acc = _mask_eq_acc(buf[r, pl.ds(v * _LANES, _LANES)], acc)
            return acc

        acc = lax.fori_loop(0, _L, step, jnp.ones((_LANES,), jnp.bool_))
        res[...] = acc.astype(jnp.int32)
        pltpu.sync_copy(res, out_hbm.at[wid])

    return sc_masks_equal


_SC_MASKS_EQUAL = _make_sc_kernel()


def _tc_body(x_ref, o_ref):
    ok = jnp.all(_mask_eq_acc(x_ref[...], jnp.ones(x_ref.shape, jnp.bool_)))
    ok = ok.astype(jnp.int32)
    i = pl.program_id(0)

    @pl.when(i == 0)
    def _init():
        o_ref[0, 0] = ok

    @pl.when(i != 0)
    def _acc():
        o_ref[0, 0] &= ok


_TC_MASKS_EQUAL = pl.pallas_call(
    _tc_body,
    grid=(_TC_COLS // _TC_BLK,),
    in_specs=[
        pl.BlockSpec((_L, _TC_BLK), lambda i: (0, _SC_COLS // _TC_BLK + i))
    ],
    out_specs=pl.BlockSpec(memory_space=pltpu.SMEM),
    out_shape=jax.ShapeDtypeStruct((1, 1), jnp.int32),
)


def kernel(inputs, table):
    del table
    tokens = inputs.T
    sc_part = _SC_MASKS_EQUAL(tokens)
    tc_part = _TC_MASKS_EQUAL(tokens)
    return jnp.logical_and(jnp.all(sc_part == 1), tc_part[0, 0] == 1)

# --- scband reference (transcript-rebuilt; emitter-appended) ---
"""Pipeline reference for scband-my-model-87454124081964 (READ-ONLY COPY).

The authoritative reference and input builder live on the scoring server;
editing this copy changes nothing except your own understanding.
"""

import jax, jax.numpy as jnp
import numpy as np


def setup_inputs(seed: int = 0) -> dict:
    key = jax.random.key(seed)
    k1, k2 = jax.random.split(key)
    # integer token ids in [0, 5) -- vocab hardcoded to 5 in the module
    inputs = jax.random.randint(k1, (16384, 200), 0, 5, dtype=jnp.int32)
    # embedding table: input_dim=5, output_dim=5
    table = jax.random.normal(k2, (5, 5), dtype=jnp.float32)
    return {"inputs": inputs, "table": table}


def reference(inputs, table):
    # Embedding lookup with mask_zero=True semantics:
    # mask is True where token id != 0
    embedded = jnp.take(table, inputs, axis=0)  # [B, L, 5]
    input_mask = inputs != 0  # keras mask from mask_zero=True

    # RandomMaskingNoAlter.call: identity (inputs + 0)
    out_no_alter = embedded + 0
    # RandomMaskingAlter.call: identity (inputs + 0)
    out_alter = embedded + 0

    # compute_mask for each layer:
    # tf.random.uniform(shape, 0, 1, dtype=int32) samples integers in [0, 1),
    # i.e. all zeros -> cast to bool -> all False -> logical_and -> all False.
    # We reproduce that faithfully with jax.random.randint(..., 0, 1).
    rkey = jax.random.key(1)
    r1, r2 = jax.random.split(rkey)
    random_mask_no_alter = jax.random.randint(r1, input_mask.shape, 0, 1, dtype=jnp.int32).astype(bool)
    random_mask_alter = jax.random.randint(r2, input_mask.shape, 0, 1, dtype=jnp.int32).astype(bool)

    mask_no_alter = jnp.logical_and(random_mask_no_alter, input_mask)
    mask_alter = jnp.logical_and(random_mask_alter, input_mask)

    # masks are not None here, so the ones_like fallback is not taken
    masks_equal = jnp.all(jnp.equal(mask_no_alter, mask_alter))
    return masks_equal

if __name__ == "__main__":
    import jax
    _d = setup_inputs()
    print(jax.jit(kernel)(*tuple(_d.values())))

</pallas_src>

<mosaic_0001>
#map = affine_map<(d0, d1) -> (0, 0)>
module attributes {stable_mosaic.version = 14 : i64} {
  func.func @sc_masks_equal(%arg0: i32, %arg1: i32, %arg2: memref<200x16384xi32, #tpu.memory_space<hbm>>, %arg3: memref<32x16xi32, #tpu.memory_space<hbm>>, %arg4: memref<200x256xi32, #tpu.memory_space<vmem>>, %arg5: memref<16xi32, #tpu.memory_space<vmem>>, %arg6: memref<!tpu.dma_semaphore, #tpu.memory_space<semaphore_mem>>) attributes {dimension_semantics = [#tpu.dimension_semantics<core_parallel>, #tpu.dimension_semantics<subcore_parallel>], iteration_bounds = array<i64: 2, 16>, scalar_prefetch = 0 : i64, scratch_operands = 3 : i64, tpu.core_type = #tpu.core_type<sc_vector_subcore>, window_params = [{transform_indices = #map}, {transform_indices = #map}]} {
    %mul3A = arith.constant 2 : i32
    %mul3A_0 = arith.muli %arg1, %mul3A : i32
    %add3A = arith.addi %mul3A_0, %arg0 : i32
    %mul3A_1 = arith.constant 256 : i32
    %mul3A_2 = arith.muli %add3A, %mul3A_1 : i32
    %dma_start3A = arith.constant 0 : i32
    %dma_start3A_3 = tpu.memref_slice %arg2[%dma_start3A, %mul3A_2] : memref<200x16384xi32, #tpu.memory_space<hbm>> -> memref<200x256xi32, #tpu.memory_space<hbm>>
    %dma_start3A_4 = arith.constant 0 : i32
    %dma_start3A_5 = tpu.memref_slice %arg2[%dma_start3A_4, %mul3A_2] : memref<200x16384xi32, #tpu.memory_space<hbm>> -> memref<200x256xi32, #tpu.memory_space<hbm>>
    tpu.enqueue_dma source(%dma_start3A_5 : memref<200x256xi32, #tpu.memory_space<hbm>>) target(%arg4 : memref<200x256xi32, #tpu.memory_space<vmem>>) target_semaphore(%arg6 : memref<!tpu.dma_semaphore, #tpu.memory_space<semaphore_mem>>)
    %dma_wait3A = arith.constant 0 : i32
    %dma_wait3A_6 = tpu.memref_slice %arg2[%dma_wait3A, %mul3A_2] : memref<200x16384xi32, #tpu.memory_space<hbm>> -> memref<200x256xi32, #tpu.memory_space<hbm>>
    %dma_wait3A_7 = arith.constant 0 : i32
    %dma_wait3A_8 = tpu.memref_slice %arg2[%dma_wait3A_7, %mul3A_2] : memref<200x16384xi32, #tpu.memory_space<hbm>> -> memref<200x256xi32, #tpu.memory_space<hbm>>
    tpu.wait_dma2 semaphore(%arg6 : memref<!tpu.dma_semaphore, #tpu.memory_space<semaphore_mem>>) src(%dma_wait3A_8 : memref<200x256xi32, #tpu.memory_space<hbm>>) dst(%arg4 : memref<200x256xi32, #tpu.memory_space<vmem>>)
    %broadcast_in_dim3A = arith.constant true
    %broadcast_in_dim3A_9 = vector.broadcast %broadcast_in_dim3A : i1 to vector<16xi1>
    %scan3A = arith.constant 0 : i32
    %scan3A_10 = arith.constant 200 : i32
    %scan3A_11 = arith.addi %scan3A, %scan3A_10 : i32
    %scan3A_12 = arith.constant 1 : i32
    %scan3A_13 = scf.for %scan3A_18 = %scan3A to %scan3A_11 step %scan3A_12 iter_args(%scan3A_19 = %broadcast_in_dim3A_9) -> (vector<16xi1>)  : i32 {
      %get3A = arith.index_cast %scan3A_18 : i32 to index
      %get3A_20 = arith.constant 0 : index
      %get3A_21 = tpu.vector_load %arg4[%get3A, %get3A_20] {strides = array<i32>} : memref<200x256xi32, #tpu.memory_space<vmem>>, vector<1x16xi32>,
      %get3A_22 = vector.shape_cast %get3A_21 : vector<1x16xi32> to vector<16xi32>
      %ne3A = arith.constant 0 : i32
      %ne3A_23 = vector.broadcast %ne3A : i32 to vector<16xi32>
      %ne3A_24 = arith.cmpi ne, %get3A_22, %ne3A_23 : vector<16xi32>
      %broadcast_in_dim3A_25 = arith.constant false
      %broadcast_in_dim3A_26 = vector.broadcast %broadcast_in_dim3A_25 : i1 to vector<16xi1>
      %and3A = arith.andi %broadcast_in_dim3A_26, %ne3A_24 : vector<16xi1>
      %and3A_27 = arith.andi %broadcast_in_dim3A_26, %ne3A_24 : vector<16xi1>
      %eq3A = arith.xori %and3A, %and3A_27 : vector<16xi1>
      %eq3A_28 = arith.constant dense<true> : vector<16xi1>
      %eq3A_29 = arith.xori %eq3A, %eq3A_28 : vector<16xi1>
      %and3A_30 = arith.andi %scan3A_19, %eq3A_29 : vector<16xi1>
      %get3A_31 = arith.index_cast %scan3A_18 : i32 to index
      %get3A_32 = arith.constant 16 : index
      %get3A_33 = tpu.vector_load %arg4[%get3A_31, %get3A_32] {strides = array<i32>} : memref<200x256xi32, #tpu.memory_space<vmem>>, vector<1x16xi32>,
      %get3A_34 = vector.shape_cast %get3A_33 : vector<1x16xi32> to vector<16xi32>
      %ne3A_35 = arith.constant 0 : i32
      %ne3A_36 = vector.broadcast %ne3A_35 : i32 to vector<16xi32>
      %ne3A_37 = arith.cmpi ne, %get3A_34, %ne3A_36 : vector<16xi32>
      %broadcast_in_dim3A_38 = arith.constant false
      %broadcast_in_dim3A_39 = vector.broadcast %broadcast_in_dim3A_38 : i1 to vector<16xi1>
      %and3A_40 = arith.andi %broadcast_in_dim3A_39, %ne3A_37 : vector<16xi1>
      %and3A_41 = arith.andi %broadcast_in_dim3A_39, %ne3A_37 : vector<16xi1>
      %eq3A_42 = arith.xori %and3A_40, %and3A_41 : vector<16xi1>
      %eq3A_43 = arith.constant dense<true> : vector<16xi1>
      %eq3A_44 = arith.xori %eq3A_42, %eq3A_43 : vector<16xi1>
      %and3A_45 = arith.andi %and3A_30, %eq3A_44 : vector<16xi1>
      %get3A_46 = arith.index_cast %scan3A_18 : i32 to index
      %get3A_47 = arith.constant 32 : index
      %get3A_48 = tpu.vector_load %arg4[%get3A_46, %get3A_47] {strides = array<i32>} : memref<200x256xi32, #tpu.memory_space<vmem>>, vector<1x16xi32>,
      %get3A_49 = vector.shape_cast %get3A_48 : vector<1x16xi32> to vector<16xi32>
      %ne3A_50 = arith.constant 0 : i32
      %ne3A_51 = vector.broadcast %ne3A_50 : i32 to vector<16xi32>
      %ne3A_52 = arith.cmpi ne, %get3A_49, %ne3A_51 : vector<16xi32>
      %broadcast_in_dim3A_53 = arith.constant false
      %broadcast_in_dim3A_54 = vector.broadcast %broadcast_in_dim3A_53 : i1 to vector<16xi1>
      %and3A_55 = arith.andi %broadcast_in_dim3A_54, %ne3A_52 : vector<16xi1>
      %and3A_56 = arith.andi %broadcast_in_dim3A_54, %ne3A_52 : vector<16xi1>
      %eq3A_57 = arith.xori %and3A_55, %and3A_56 : vector<16xi1>
      %eq3A_58 = arith.constant dense<true> : vector<16xi1>
      %eq3A_59 = arith.xori %eq3A_57, %eq3A_58 : vector<16xi1>
      %and3A_60 = arith.andi %and3A_45, %eq3A_59 : vector<16xi1>
      %get3A_61 = arith.index_cast %scan3A_18 : i32 to index
      %get3A_62 = arith.constant 48 : index
      %get3A_63 = tpu.vector_load %arg4[%get3A_61, %get3A_62] {strides = array<i32>} : memref<200x256xi32, #tpu.memory_space<vmem>>, vector<1x16xi32>,
      %get3A_64 = vector.shape_cast %get3A_63 : vector<1x16xi32> to vector<16xi32>
      %ne3A_65 = arith.constant 0 : i32
      %ne3A_66 = vector.broadcast %ne3A_65 : i32 to vector<16xi32>
      %ne3A_67 = arith.cmpi ne, %get3A_64, %ne3A_66 : vector<16xi32>
      %broadcast_in_dim3A_68 = arith.constant false
      %broadcast_in_dim3A_69 = vector.broadcast %broadcast_in_dim3A_68 : i1 to vector<16xi1>
      %and3A_70 = arith.andi %broadcast_in_dim3A_69, %ne3A_67 : vector<16xi1>
      %and3A_71 = arith.andi %broadcast_in_dim3A_69, %ne3A_67 : vector<16xi1>
      %eq3A_72 = arith.xori %and3A_70, %and3A_71 : vector<16xi1>
      %eq3A_73 = arith.constant dense<true> : vector<16xi1>
      %eq3A_74 = arith.xori %eq3A_72, %eq3A_73 : vector<16xi1>
      %and3A_75 = arith.andi %and3A_60, %eq3A_74 : vector<16xi1>
      %get3A_76 = arith.index_cast %scan3A_18 : i32 to index
      %get3A_77 = arith.constant 64 : index
      %get3A_78 = tpu.vector_load %arg4[%get3A_76, %get3A_77] {strides = array<i32>} : memref<200x256xi32, #tpu.memory_space<vmem>>, vector<1x16xi32>,
      %get3A_79 = vector.shape_cast %get3A_78 : vector<1x16xi32> to vector<16xi32>
      %ne3A_80 = arith.constant 0 : i32
      %ne3A_81 = vector.broadcast %ne3A_80 : i32 to vector<16xi32>
      %ne3A_82 = arith.cmpi ne, %get3A_79, %ne3A_81 : vector<16xi32>
      %broadcast_in_dim3A_83 = arith.constant false
      %broadcast_in_dim3A_84 = vector.broadcast %broadcast_in_dim3A_83 : i1 to vector<16xi1>
      %and3A_85 = arith.andi %broadcast_in_dim3A_84, %ne3A_82 : vector<16xi1>
      %and3A_86 = arith.andi %broadcast_in_dim3A_84, %ne3A_82 : vector<16xi1>
      %eq3A_87 = arith.xori %and3A_85, %and3A_86 : vector<16xi1>
      %eq3A_88 = arith.constant dense<true> : vector<16xi1>
      %eq3A_89 = arith.xori %eq3A_87, %eq3A_88 : vector<16xi1>
      %and3A_90 = arith.andi %and3A_75, %eq3A_89 : vector<16xi1>
      %get3A_91 = arith.index_cast %scan3A_18 : i32 to index
      %get3A_92 = arith.constant 80 : index
      %get3A_93 = tpu.vector_load %arg4[%get3A_91, %get3A_92] {strides = array<i32>} : memref<200x256xi32, #tpu.memory_space<vmem>>, vector<1x16xi32>,
      %get3A_94 = vector.shape_cast %get3A_93 : vector<1x16xi32> to vector<16xi32>
      %ne3A_95 = arith.constant 0 : i32
      %ne3A_96 = vector.broadcast %ne3A_95 : i32 to vector<16xi32>
      %ne3A_97 = arith.cmpi ne, %get3A_94, %ne3A_96 : vector<16xi32>
      %broadcast_in_dim3A_98 = arith.constant false
      %broadcast_in_dim3A_99 = vector.broadcast %broadcast_in_dim3A_98 : i1 to vector<16xi1>
      %and3A_100 = arith.andi %broadcast_in_dim3A_99, %ne3A_97 : vector<16xi1>
      %and3A_101 = arith.andi %broadcast_in_dim3A_99, %ne3A_97 : vector<16xi1>
      %eq3A_102 = arith.xori %and3A_100, %and3A_101 : vector<16xi1>
      %eq3A_103 = arith.constant dense<true> : vector<16xi1>
      %eq3A_104 = arith.xori %eq3A_102, %eq3A_103 : vector<16xi1>
      %and3A_105 = arith.andi %and3A_90, %eq3A_104 : vector<16xi1>
      %get3A_106 = arith.index_cast %scan3A_18 : i32 to index
      %get3A_107 = arith.constant 96 : index
      %get3A_108 = tpu.vector_load %arg4[%get3A_106, %get3A_107] {strides = array<i32>} : memref<200x256xi32, #tpu.memory_space<vmem>>, vector<1x16xi32>,
      %get3A_109 = vector.shape_cast %get3A_108 : vector<1x16xi32> to vector<16xi32>
      %ne3A_110 = arith.constant 0 : i32
      %ne3A_111 = vector.broadcast %ne3A_110 : i32 to vector<16xi32>
      %ne3A_112 = arith.cmpi ne, %get3A_109, %ne3A_111 : vector<16xi32>
      %broadcast_in_dim3A_113 = arith.constant false
      %broadcast_in_dim3A_114 = vector.broadcast %broadcast_in_dim3A_113 : i1 to vector<16xi1>
      %and3A_115 = arith.andi %broadcast_in_dim3A_114, %ne3A_112 : vector<16xi1>
      %and3A_116 = arith.andi %broadcast_in_dim3A_114, %ne3A_112 : vector<16xi1>
      %eq3A_117 = arith.xori %and3A_115, %and3A_116 : vector<16xi1>
      %eq3A_118 = arith.constant dense<true> : vector<16xi1>
      %eq3A_119 = arith.xori %eq3A_117, %eq3A_118 : vector<16xi1>
      %and3A_120 = arith.andi %and3A_105, %eq3A_119 : vector<16xi1>
      %get3A_121 = arith.index_cast %scan3A_18 : i32 to index
      %get3A_122 = arith.constant 112 : index
      %get3A_123 = tpu.vector_load %arg4[%get3A_121, %get3A_122] {strides = array<i32>} : memref<200x256xi32, #tpu.memory_space<vmem>>, vector<1x16xi32>,
      %get3A_124 = vector.shape_cast %get3A_123 : vector<1x16xi32> to vector<16xi32>
      %ne3A_125 = arith.constant 0 : i32
      %ne3A_126 = vector.broadcast %ne3A_125 : i32 to vector<16xi32>
      %ne3A_127 = arith.cmpi ne, %get3A_124, %ne3A_126 : vector<16xi32>
      %broadcast_in_dim3A_128 = arith.constant false
      %broadcast_in_dim3A_129 = vector.broadcast %broadcast_in_dim3A_128 : i1 to vector<16xi1>
      %and3A_130 = arith.andi %broadcast_in_dim3A_129, %ne3A_127 : vector<16xi1>
      %and3A_131 = arith.andi %broadcast_in_dim3A_129, %ne3A_127 : vector<16xi1>
      %eq3A_132 = arith.xori %and3A_130, %and3A_131 : vector<16xi1>
      %eq3A_133 = arith.constant dense<true> : vector<16xi1>
      %eq3A_134 = arith.xori %eq3A_132, %eq3A_133 : vector<16xi1>
      %and3A_135 = arith.andi %and3A_120, %eq3A_134 : vector<16xi1>
      %get3A_136 = arith.index_cast %scan3A_18 : i32 to index
      %get3A_137 = arith.constant 128 : index
      %get3A_138 = tpu.vector_load %arg4[%get3A_136, %get3A_137] {strides = array<i32>} : memref<200x256xi32, #tpu.memory_space<vmem>>, vector<1x16xi32>,
      %get3A_139 = vector.shape_cast %get3A_138 : vector<1x16xi32> to vector<16xi32>
      %ne3A_140 = arith.constant 0 : i32
      %ne3A_141 = vector.broadcast %ne3A_140 : i32 to vector<16xi32>
      %ne3A_142 = arith.cmpi ne, %get3A_139, %ne3A_141 : vector<16xi32>
      %broadcast_in_dim3A_143 = arith.constant false
      %broadcast_in_dim3A_144 = vector.broadcast %broadcast_in_dim3A_143 : i1 to vector<16xi1>
      %and3A_145 = arith.andi %broadcast_in_dim3A_144, %ne3A_142 : vector<16xi1>
      %and3A_146 = arith.andi %broadcast_in_dim3A_144, %ne3A_142 : vector<16xi1>
      %eq3A_147 = arith.xori %and3A_145, %and3A_146 : vector<16xi1>
      %eq3A_148 = arith.constant dense<true> : vector<16xi1>
      %eq3A_149 = arith.xori %eq3A_147, %eq3A_148 : vector<16xi1>
      %and3A_150 = arith.andi %and3A_135, %eq3A_149 : vector<16xi1>
      %get3A_151 = arith.index_cast %scan3A_18 : i32 to index
      %get3A_152 = arith.constant 144 : index
      %get3A_153 = tpu.vector_load %arg4[%get3A_151, %get3A_152] {strides = array<i32>} : memref<200x256xi32, #tpu.memory_space<vmem>>, vector<1x16xi32>,
      %get3A_154 = vector.shape_cast %get3A_153 : vector<1x16xi32> to vector<16xi32>
      %ne3A_155 = arith.constant 0 : i32
      %ne3A_156 = vector.broadcast %ne3A_155 : i32 to vector<16xi32>
      %ne3A_157 = arith.cmpi ne, %get3A_154, %ne3A_156 : vector<16xi32>
      %broadcast_in_dim3A_158 = arith.constant false
      %broadcast_in_dim3A_159 = vector.broadcast %broadcast_in_dim3A_158 : i1 to vector<16xi1>
      %and3A_160 = arith.andi %broadcast_in_dim3A_159, %ne3A_157 : vector<16xi1>
      %and3A_161 = arith.andi %broadcast_in_dim3A_159, %ne3A_157 : vector<16xi1>
      %eq3A_162 = arith.xori %and3A_160, %and3A_161 : vector<16xi1>
      %eq3A_163 = arith.constant dense<true> : vector<16xi1>
      %eq3A_164 = arith.xori %eq3A_162, %eq3A_163 : vector<16xi1>
      %and3A_165 = arith.andi %and3A_150, %eq3A_164 : vector<16xi1>
      %get3A_166 = arith.index_cast %scan3A_18 : i32 to index
      %get3A_167 = arith.constant 160 : index
      %get3A_168 = tpu.vector_load %arg4[%get3A_166, %get3A_167] {strides = array<i32>} : memref<200x256xi32, #tpu.memory_space<vmem>>, vector<1x16xi32>,
      %get3A_169 = vector.shape_cast %get3A_168 : vector<1x16xi32> to vector<16xi32>
      %ne3A_170 = arith.constant 0 : i32
      %ne3A_171 = vector.broadcast %ne3A_170 : i32 to vector<16xi32>
      %ne3A_172 = arith.cmpi ne, %get3A_169, %ne3A_171 : vector<16xi32>
      %broadcast_in_dim3A_173 = arith.constant false
      %broadcast_in_dim3A_174 = vector.broadcast %broadcast_in_dim3A_173 : i1 to vector<16xi1>
      %and3A_175 = arith.andi %broadcast_in_dim3A_174, %ne3A_172 : vector<16xi1>
      %and3A_176 = arith.andi %broadcast_in_dim3A_174, %ne3A_172 : vector<16xi1>
      %eq3A_177 = arith.xori %and3A_175, %and3A_176 : vector<16xi1>
      %eq3A_178 = arith.constant dense<true> : vector<16xi1>
      %eq3A_179 = arith.xori %eq3A_177, %eq3A_178 : vector<16xi1>
      %and3A_180 = arith.andi %and3A_165, %eq3A_179 : vector<16xi1>
      %get3A_181 = arith.index_cast %scan3A_18 : i32 to index
      %get3A_182 = arith.constant 176 : index
      %get3A_183 = tpu.vector_load %arg4[%get3A_181, %get3A_182] {strides = array<i32>} : memref<200x256xi32, #tpu.memory_space<vmem>>, vector<1x16xi32>,
      %get3A_184 = vector.shape_cast %get3A_183 : vector<1x16xi32> to vector<16xi32>
      %ne3A_185 = arith.constant 0 : i32
      %ne3A_186 = vector.broadcast %ne3A_185 : i32 to vector<16xi32>
      %ne3A_187 = arith.cmpi ne, %get3A_184, %ne3A_186 : vector<16xi32>
      %broadcast_in_dim3A_188 = arith.constant false
      %broadcast_in_dim3A_189 = vector.broadcast %broadcast_in_dim3A_188 : i1 to vector<16xi1>
      %and3A_190 = arith.andi %broadcast_in_dim3A_189, %ne3A_187 : vector<16xi1>
      %and3A_191 = arith.andi %broadcast_in_dim3A_189, %ne3A_187 : vector<16xi1>
      %eq3A_192 = arith.xori %and3A_190, %and3A_191 : vector<16xi1>
      %eq3A_193 = arith.constant dense<true> : vector<16xi1>
      %eq3A_194 = arith.xori %eq3A_192, %eq3A_193 : vector<16xi1>
      %and3A_195 = arith.andi %and3A_180, %eq3A_194 : vector<16xi1>
      %get3A_196 = arith.index_cast %scan3A_18 : i32 to index
      %get3A_197 = arith.constant 192 : index
      %get3A_198 = tpu.vector_load %arg4[%get3A_196, %get3A_197] {strides = array<i32>} : memref<200x256xi32, #tpu.memory_space<vmem>>, vector<1x16xi32>,
      %get3A_199 = vector.shape_cast %get3A_198 : vector<1x16xi32> to vector<16xi32>
      %ne3A_200 = arith.constant 0 : i32
      %ne3A_201 = vector.broadcast %ne3A_200 : i32 to vector<16xi32>
      %ne3A_202 = arith.cmpi ne, %get3A_199, %ne3A_201 : vector<16xi32>
      %broadcast_in_dim3A_203 = arith.constant false
      %broadcast_in_dim3A_204 = vector.broadcast %broadcast_in_dim3A_203 : i1 to vector<16xi1>
      %and3A_205 = arith.andi %broadcast_in_dim3A_204, %ne3A_202 : vector<16xi1>
      %and3A_206 = arith.andi %broadcast_in_dim3A_204, %ne3A_202 : vector<16xi1>
      %eq3A_207 = arith.xori %and3A_205, %and3A_206 : vector<16xi1>
      %eq3A_208 = arith.constant dense<true> : vector<16xi1>
      %eq3A_209 = arith.xori %eq3A_207, %eq3A_208 : vector<16xi1>
      %and3A_210 = arith.andi %and3A_195, %eq3A_209 : vector<16xi1>
      %get3A_211 = arith.index_cast %scan3A_18 : i32 to index
      %get3A_212 = arith.constant 208 : index
      %get3A_213 = tpu.vector_load %arg4[%get3A_211, %get3A_212] {strides = array<i32>} : memref<200x256xi32, #tpu.memory_space<vmem>>, vector<1x16xi32>,
      %get3A_214 = vector.shape_cast %get3A_213 : vector<1x16xi32> to vector<16xi32>
      %ne3A_215 = arith.constant 0 : i32
      %ne3A_216 = vector.broadcast %ne3A_215 : i32 to vector<16xi32>
      %ne3A_217 = arith.cmpi ne, %get3A_214, %ne3A_216 : vector<16xi32>
      %broadcast_in_dim3A_218 = arith.constant false
      %broadcast_in_dim3A_219 = vector.broadcast %broadcast_in_dim3A_218 : i1 to vector<16xi1>
      %and3A_220 = arith.andi %broadcast_in_dim3A_219, %ne3A_217 : vector<16xi1>
      %and3A_221 = arith.andi %broadcast_in_dim3A_219, %ne3A_217 : vector<16xi1>
      %eq3A_222 = arith.xori %and3A_220, %and3A_221 : vector<16xi1>
      %eq3A_223 = arith.constant dense<true> : vector<16xi1>
      %eq3A_224 = arith.xori %eq3A_222, %eq3A_223 : vector<16xi1>
      %and3A_225 = arith.andi %and3A_210, %eq3A_224 : vector<16xi1>
      %get3A_226 = arith.index_cast %scan3A_18 : i32 to index
      %get3A_227 = arith.constant 224 : index
      %get3A_228 = tpu.vector_load %arg4[%get3A_226, %get3A_227] {strides = array<i32>} : memref<200x256xi32, #tpu.memory_space<vmem>>, vector<1x16xi32>,
      %get3A_229 = vector.shape_cast %get3A_228 : vector<1x16xi32> to vector<16xi32>
      %ne3A_230 = arith.constant 0 : i32
      %ne3A_231 = vector.broadcast %ne3A_230 : i32 to vector<16xi32>
      %ne3A_232 = arith.cmpi ne, %get3A_229, %ne3A_231 : vector<16xi32>
      %broadcast_in_dim3A_233 = arith.constant false
      %broadcast_in_dim3A_234 = vector.broadcast %broadcast_in_dim3A_233 : i1 to vector<16xi1>
      %and3A_235 = arith.andi %broadcast_in_dim3A_234, %ne3A_232 : vector<16xi1>
      %and3A_236 = arith.andi %broadcast_in_dim3A_234, %ne3A_232 : vector<16xi1>
      %eq3A_237 = arith.xori %and3A_235, %and3A_236 : vector<16xi1>
      %eq3A_238 = arith.constant dense<true> : vector<16xi1>
      %eq3A_239 = arith.xori %eq3A_237, %eq3A_238 : vector<16xi1>
      %and3A_240 = arith.andi %and3A_225, %eq3A_239 : vector<16xi1>
      %get3A_241 = arith.index_cast %scan3A_18 : i32 to index
      %get3A_242 = arith.constant 240 : index
      %get3A_243 = tpu.vector_load %arg4[%get3A_241, %get3A_242] {strides = array<i32>} : memref<200x256xi32, #tpu.memory_space<vmem>>, vector<1x16xi32>,
      %get3A_244 = vector.shape_cast %get3A_243 : vector<1x16xi32> to vector<16xi32>
      %ne3A_245 = arith.constant 0 : i32
      %ne3A_246 = vector.broadcast %ne3A_245 : i32 to vector<16xi32>
      %ne3A_247 = arith.cmpi ne, %get3A_244, %ne3A_246 : vector<16xi32>
      %broadcast_in_dim3A_248 = arith.constant false
      %broadcast_in_dim3A_249 = vector.broadcast %broadcast_in_dim3A_248 : i1 to vector<16xi1>
      %and3A_250 = arith.andi %broadcast_in_dim3A_249, %ne3A_247 : vector<16xi1>
      %and3A_251 = arith.andi %broadcast_in_dim3A_249, %ne3A_247 : vector<16xi1>
      %eq3A_252 = arith.xori %and3A_250, %and3A_251 : vector<16xi1>
      %eq3A_253 = arith.constant dense<true> : vector<16xi1>
      %eq3A_254 = arith.xori %eq3A_252, %eq3A_253 : vector<16xi1>
      %and3A_255 = arith.andi %and3A_240, %eq3A_254 : vector<16xi1>
      scf.yield %and3A_255 : vector<16xi1>
    }
    %scan3A_14 = arith.constant 200 : i32
    %convert_element_type3A = arith.extui %scan3A_13 : vector<16xi1> to vector<16xi32>
    %swap3A = arith.constant 0 : index
    %swap3A_15 = tpu.vector_load %arg5[%swap3A] {strides = array<i32>} : memref<16xi32, #tpu.memory_space<vmem>>, vector<16xi32>,
    %swap3A_16 = vector.shape_cast %swap3A_15 : vector<16xi32> to vector<16xi32>
    %swap3A_17 = vector.shape_cast %convert_element_type3A : vector<16xi32> to vector<16xi32>
    tpu.vector_store %arg5[%swap3A], %swap3A_17 {strides = array<i32>} : memref<16xi32, #tpu.memory_space<vmem>>, vector<16xi32>,
    "tpu.region"() ({
      %run_scoped3A = tpu.sem_alloc : memref<!tpu.dma_semaphore, #tpu.memory_space<semaphore_mem>>
      %dma_start3A_18 = arith.constant 0 : i32
      %dma_start3A_19 = tpu.memref_slice %arg3[%add3A, %dma_start3A_18] : memref<32x16xi32, #tpu.memory_space<hbm>> -> memref<1x16xi32, #tpu.memory_space<hbm>>
      %dma_start3A_20 = tpu.memref_squeeze %dma_start3A_19 : memref<1x16xi32, #tpu.memory_space<hbm>> -> memref<16xi32, #tpu.memory_space<hbm>>
      %dma_start3A_21 = arith.constant 0 : i32
      %dma_start3A_22 = tpu.memref_slice %arg3[%add3A, %dma_start3A_21] : memref<32x16xi32, #tpu.memory_space<hbm>> -> memref<1x16xi32, #tpu.memory_space<hbm>>
      %dma_start3A_23 = tpu.memref_squeeze %dma_start3A_22 : memref<1x16xi32, #tpu.memory_space<hbm>> -> memref<16xi32, #tpu.memory_space<hbm>>
      tpu.enqueue_dma source(%arg5 : memref<16xi32, #tpu.memory_space<vmem>>) target(%dma_start3A_23 : memref<16xi32, #tpu.memory_space<hbm>>) target_semaphore(%run_scoped3A : memref<!tpu.dma_semaphore, #tpu.memory_space<semaphore_mem>>)
      %dma_wait3A_24 = arith.constant 0 : i32
      %dma_wait3A_25 = tpu.memref_slice %arg3[%add3A, %dma_wait3A_24] : memref<32x16xi32, #tpu.memory_space<hbm>> -> memref<1x16xi32, #tpu.memory_space<hbm>>
      %dma_wait3A_26 = tpu.memref_squeeze %dma_wait3A_25 : memref<1x16xi32, #tpu.memory_space<hbm>> -> memref<16xi32, #tpu.memory_space<hbm>>
      %dma_wait3A_27 = arith.constant 0 : i32
      %dma_wait3A_28 = tpu.memref_slice %arg3[%add3A, %dma_wait3A_27] : memref<32x16xi32, #tpu.memory_space<hbm>> -> memref<1x16xi32, #tpu.memory_space<hbm>>
      %dma_wait3A_29 = tpu.memref_squeeze %dma_wait3A_28 : memref<1x16xi32, #tpu.memory_space<hbm>> -> memref<16xi32, #tpu.memory_space<hbm>>
      tpu.wait_dma2 semaphore(%run_scoped3A : memref<!tpu.dma_semaphore, #tpu.memory_space<semaphore_mem>>) src(%arg5 : memref<16xi32, #tpu.memory_space<vmem>>) dst(%dma_wait3A_29 : memref<16xi32, #tpu.memory_space<hbm>>)
      tpu.yield
    }) : () -> ()
    return
  }
}

module attributes {stable_mosaic.version = 14 : i64} {
  func.func @_tc_body(%arg0: i32, %arg1: memref<200x1024xi32, #tpu.memory_space<vmem>>, %arg2: memref<1x1xi32, #tpu.memory_space<smem>>) attributes {dimension_semantics = [#tpu.dimension_semantics<arbitrary>], iteration_bounds = array<i64: 8>, scalar_prefetch = 0 : i64, scratch_operands = 0 : i64, tpu.core_type = #tpu.core_type<tc>, window_params = [{transform_indices = @transform_0, window_bounds = array<i64: 200, 1024>}, {transform_indices = @transform_1, window_bounds = array<i64: 1, 1>}]} {
    %get3A = arith.constant 0 : index
    %get3A_0 = arith.constant 0 : index
    %get3A_1 = vector.load %arg1[%get3A, %get3A_0] : memref<200x1024xi32, #tpu.memory_space<vmem>>, vector<200x1024xi32>
    %broadcast_in_dim3A = arith.constant true
    %broadcast_in_dim3A_2 = vector.broadcast %broadcast_in_dim3A : i1 to vector<200x1024xi1>
    %ne3A = arith.constant 0 : i32
    %ne3A_3 = vector.broadcast %ne3A : i32 to vector<200x1024xi32>
    %ne3A_4 = arith.cmpi ne, %get3A_1, %ne3A_3 : vector<200x1024xi32>
    %broadcast_in_dim3A_5 = arith.constant false
    %broadcast_in_dim3A_6 = vector.broadcast %broadcast_in_dim3A_5 : i1 to vector<200x1024xi1>
    %and3A = arith.andi %broadcast_in_dim3A_6, %ne3A_4 : vector<200x1024xi1>
    %and3A_7 = arith.andi %broadcast_in_dim3A_6, %ne3A_4 : vector<200x1024xi1>
    %eq3A = arith.xori %and3A, %and3A_7 : vector<200x1024xi1>
    %eq3A_8 = arith.constant dense<true> : vector<200x1024xi1>
    %eq3A_9 = arith.xori %eq3A, %eq3A_8 : vector<200x1024xi1>
    %and3A_10 = arith.andi %broadcast_in_dim3A_2, %eq3A_9 : vector<200x1024xi1>
    %reduce_and3A = arith.constant 1.000000e+00 : f32
    %reduce_and3A_11 = arith.constant 0.000000e+00 : f32
    %reduce_and3A_12 = vector.broadcast %reduce_and3A : f32 to vector<200x1024xf32>
    %reduce_and3A_13 = vector.broadcast %reduce_and3A_11 : f32 to vector<200x1024xf32>
    %reduce_and3A_14 = arith.select %and3A_10, %reduce_and3A_12, %reduce_and3A_13 : vector<200x1024xi1>, vector<200x1024xf32>
    %reduce_and3A_15 = vector.shape_cast %reduce_and3A_14 : vector<200x1024xf32> to vector<1x200x1024xf32>
    %reduce_and3A_16 = arith.constant dense<0x7F800000> : vector<1xf32>
    %reduce_and3A_17 = vector.multi_reduction <minimumf>, %reduce_and3A_15, %reduce_and3A_16 [1, 2] : vector<1x200x1024xf32> to vector<1xf32>
    %reduce_and3A_18 = vector.shape_cast %reduce_and3A_17 : vector<1xf32> to vector<1x1x1xf32>
    %reduce_and3A_19 = vector.extract %reduce_and3A_18[0, 0, 0] : f32 from vector<1x1x1xf32>
    %reduce_and3A_20 = arith.constant 0.000000e+00 : f32
    %reduce_and3A_21 = arith.cmpf ogt, %reduce_and3A_19, %reduce_and3A_20 : f32
    %convert_element_type3A = arith.extui %reduce_and3A_21 : i1 to i32
    %eq3A_22 = arith.constant 0 : i32
    %eq3A_23 = arith.cmpi eq, %arg0, %eq3A_22 : i32
    %convert_element_type3A_24 = arith.extui %eq3A_23 : i1 to i32
    %cond3A = arith.constant 0 : i32
    %cond3A_25 = arith.cmpi ne, %convert_element_type3A_24, %cond3A : i32
    scf.if %cond3A_25 {
      %swap3A = arith.constant 0 : index
      %swap3A_31 = arith.constant 0 : index
      %swap3A_32 = memref.load %arg2[%swap3A, %swap3A_31] : memref<1x1xi32, #tpu.memory_space<smem>>
      memref.store %convert_element_type3A, %arg2[%swap3A, %swap3A_31] : memref<1x1xi32, #tpu.memory_space<smem>>
    } else {
    }
    %ne3A_26 = arith.constant 0 : i32
    %ne3A_27 = arith.cmpi ne, %arg0, %ne3A_26 : i32
    %convert_element_type3A_28 = arith.extui %ne3A_27 : i1 to i32
    %cond3A_29 = arith.constant 0 : i32
    %cond3A_30 = arith.cmpi ne, %convert_element_type3A_28, %cond3A_29 : i32
    scf.if %cond3A_30 {
      %get3A_31 = arith.constant 0 : index
      %get3A_32 = arith.constant 0 : index
      %get3A_33 = memref.load %arg2[%get3A_31, %get3A_32] : memref<1x1xi32, #tpu.memory_space<smem>>
      %and3A_34 = arith.andi %get3A_33, %convert_element_type3A : i32
      %swap3A = arith.constant 0 : index
      %swap3A_35 = arith.constant 0 : index
      %swap3A_36 = memref.load %arg2[%swap3A, %swap3A_35] : memref<1x1xi32, #tpu.memory_space<smem>>
      memref.store %and3A_34, %arg2[%swap3A, %swap3A_35] : memref<1x1xi32, #tpu.memory_space<smem>>
    } else {
    }
    return
  }
  func.func @transform_0(%arg0: i32) -> (i32, i32) {
    %add3A = arith.constant 8 : i32
    %add3A_0 = arith.addi %add3A, %arg0 : i32
    %c0_i32 = arith.constant 0 : i32
    %c0_i32_1 = arith.constant 0 : i32
    return %c0_i32, %add3A_0 : i32, i32
  }
  func.func @transform_1(%arg0: i32) -> (i32, i32) {
    %c0_i32 = arith.constant 0 : i32
    %c0_i32_0 = arith.constant 0 : i32
    %c0_i32_1 = arith.constant 0 : i32
    return %c0_i32, %c0_i32_0 : i32, i32
  }
}

</mosaic_0001>

<sc_bundles>
// kernel: kernel.4.cloned.1.call-start
scs
__scs_entry_jumppad:
0x0: {  	(pc) =	sbr.rel $0x88, $3  }
0x1: {  	(tag) =	ssettag $0x0;
	lr =	simm.s32 $0x1  }
0x2: {  	[smem:$0x3FA0] =	sst lr;
	_ =	strace $0xD0000000  }
0x3: {  	_ = 	snop  }
0x4: {  	_ = 	snop  }
0x5: {  	_ = 	snop  }
0x6: {  	_ = 	snop  }
0x7: {  	_ = 	snop  }
__scs_overlays_trampoline_lowered:
0x8: {  	[smem:$0x3FAF] =	sst s0  }
0x9: {  	[smem:$0x3FB0] =	sst s1  }
0xa: {  	[smem:$0x3FB1] =	sst s2  }
0xb: {  	[smem:$0x3FB2] =	sst s3  }
0xc: {  	[smem:$0x3FB3] =	sst s4  }
0xd: {  	[smem:$0x3FB4] =	sst s5  }
0xe: {  	[smem:$0x3FB5] =	sst s6  }
0xf: {  	[smem:$0x3FB6] =	sst s7  }
0x10: {  	[smem:$0x3FB7] =	sst s8  }
0x11: {  	[smem:$0x3FB8] =	sst s9;
	s0 =	simm.s32 @!p0 $0x0  }
0x12: {  	s1 =	sld [smem:$0x3F9E];
	s0 =	simm.s32 @p0 $0x1  }
0x13: {  	[smem:$0x3FB9] =	sst s0;
	s0 =	simm.s32 @!p1 $0x0  }
0x14: {  	s2 =	sld [smem:$0x3F9D];
	s0 =	simm.s32 @p1 $0x1  }
0x15: {  	[smem:$0x3FBA] =	sst s0;
	s0 =	simm.s32 @!p2 $0x0  }
0x16: {  	s3 =	sld [smem:$0x3FDB];
	s0 =	simm.s32 @p2 $0x1  }
0x17: {  	s4 =	simm.s32 $0x1BF5;
	[smem:$0x3FBC] =	sst s0  }
0x18: {  	s0 =	sld [smem:$0x3F9F];
	_ =	swait.ge [sflag:s4], $0x0  }
0x19: {  	s7 =	sld [smem:$0x3FA0]  }
0x1a: {  	s8 =	sadd.s32 $0xFFFFE003, lr  }
0x1b: {  	s9 =	sadd.s32 $0xFFFFFEF7, lr;
	s5 =	simm.s32 $0xFFFFFFFF;
	p2 =	slt.u32 s8, $0xFFFFF086  }
0x1c: {  	p1 =	slt.u32 s9, $0xF7A;
	s5 =	simm.s32 @!p2 $0x0  }
0x1d: {  	s5 =	simm.s32 @p1 $0x1;
	p0 =	seq.s32 s7, s2  }
0x1e: {  	s7 =	smul.u32 @!p0 $0xF7A, s2;
	p2 =	seq.s32 @!p0 s5, $0x0  }
0x1f: {  	s9 =	smul.u32 $0xF7A, s1;
	s8 =	simm.s32 @!p0 $0x1BF5;
	p2 =	por !p2, p0  }
0x20: {  	[sflag:s8] =	ssyncset.s32 @!p0 $0xFFFFF086;
	s6 =	sadd.s32 @!p0 s3, s7;
	s7 =	simm.s32 @!p0 $0x108  }
0x21: {  	s3 =	sadd.s32 s3, s9;
	s6 =	sadd.s32 @!p0 $0x88, s6;
	s7 =	simm.s32 @p2 $0x1082  }
0x22: {  	[simem:s7], [sflag:s8] =	dma.local @!p0 [hbm:s6], $0xF7A  }
0x23: {  	s9 =	sor.u32 $0xD0000000, s2;
	s6 =	simm.s32 $0x108;
	_ =	swait.ge @!p0 [sflag:s8], $0x0  }
0x24: {  	s3 =	sadd.s32 $0x88, s3;
	s6 =	simm.s32 @!p1 $0x1082;
	[sflag:s4] =	ssyncset.s32 $0xFFFFF086  }
0x25: {  	[simem:s6], [sflag:s4] =	dma.local [hbm:s3], $0xF7A  }
0x26: {  	[smem:$0x3FA0] =	sst s1;
	(tag) =	ssettag s2;
	_ =	strace s9  }
0x27: {  	s1 =	sld [smem:$0x3FB0]  }
0x28: {  	s2 =	sld [smem:$0x3FB1]  }
0x29: {  	s4 =	sld [smem:$0x3FB3]  }
0x2a: {  	p0 =	seq.s32 s5, $0x0;
	s5 =	sld [smem:$0x3FB4]  }
0x2b: {  	s6 =	sld [smem:$0x3FB5]  }
0x2c: {  	s7 =	sld [smem:$0x3FB6]  }
0x2d: {  	s3 =	simm.s32 $0x108;
	s8 =	sld [smem:$0x3FB7]  }
0x2e: {  	s3 =	simm.s32 @!p0 $0x1082;
	s9 =	sld [smem:$0x3FB8]  }
0x2f: {  	lr =	sadd.s32 s0, s3;
	s0 =	sld [smem:$0x3FAF]  }
0x30: {  	s3 =	sld [smem:$0x3FB2]  }
0x31: {  	[smem:$0x3FBB] =	sst s10  }
0x32: {  	s10 =	sld [smem:$0x3FB9];
	_ =	sdelay $0x3  }
0x33: {  	p0 =	seq.s32 s10, $0x1;
	s10 =	sld [smem:$0x3FBB];
	_ =	sdelay $0x3  }
0x34: {  	[smem:$0x3FBB] =	sst s10  }
0x35: {  	s10 =	sld [smem:$0x3FBA];
	_ =	sdelay $0x3  }
0x36: {  	p1 =	seq.s32 s10, $0x1;
	s10 =	sld [smem:$0x3FBB];
	_ =	sdelay $0x3  }
0x37: {  	[smem:$0x3FBB] =	sst s10  }
0x38: {  	s10 =	sld [smem:$0x3FBC]  }
0x39: {  	_ = 	snop;
	(pc) =	sbr.ind lr, $3  }
0x3a: {  	_ = 	snop  }
0x3b: {  	_ = 	snop  }
0x3c: {  	p2 =	seq.s32 s10, $0x1;
	s10 =	sld [smem:$0x3FBB]  }
0x3d: {  	_ =	shalt  }
0x3e: {  	_ =	shalt  }
0x3f: {  	_ =	shalt  }
0x40: {  	_ =	shalt  }
0x41: {  	_ =	shalt  }
0x42: {  	_ =	shalt  }
0x43: {  	_ =	shalt  }
0x44: {  	_ =	shalt  }
0x45: {  	_ =	shalt  }
0x46: {  	_ =	shalt  }
0x47: {  	_ =	shalt  }
0x48: {  	_ =	shalt  }
0x49: {  	_ =	shalt  }
0x4a: {  	_ =	shalt  }
0x4b: {  	_ =	shalt  }
0x4c: {  	_ =	shalt  }
0x4d: {  	_ =	shalt  }
0x4e: {  	_ =	shalt  }
0x4f: {  	_ =	shalt  }
0x50: {  	_ =	shalt  }
0x51: {  	_ =	shalt  }
0x52: {  	_ =	shalt  }
0x53: {  	_ =	shalt  }
0x54: {  	_ =	shalt  }
0x55: {  	_ =	shalt  }
0x56: {  	_ =	shalt  }
0x57: {  	_ =	shalt  }
0x58: {  	_ =	shalt  }
0x59: {  	_ =	shalt  }
0x5a: {  	_ =	shalt  }
0x5b: {  	_ =	shalt  }
0x5c: {  	_ =	shalt  }
0x5d: {  	_ =	shalt  }
0x5e: {  	_ =	shalt  }
0x5f: {  	_ =	shalt  }
0x60: {  	_ =	shalt  }
0x61: {  	_ =	shalt  }
0x62: {  	_ =	shalt  }
0x63: {  	_ =	shalt  }
0x64: {  	_ =	shalt  }
0x65: {  	_ =	shalt  }
0x66: {  	_ =	shalt  }
0x67: {  	_ =	shalt  }
0x68: {  	_ =	shalt  }
0x69: {  	_ =	shalt  }
0x6a: {  	_ =	shalt  }
0x6b: {  	_ =	shalt  }
0x6c: {  	_ =	shalt  }
0x6d: {  	_ =	shalt  }
0x6e: {  	_ =	shalt  }
0x6f: {  	_ =	shalt  }
0x70: {  	_ =	shalt  }
0x71: {  	_ =	shalt  }
0x72: {  	_ =	shalt  }
0x73: {  	_ =	shalt  }
0x74: {  	_ =	shalt  }
0x75: {  	_ =	shalt  }
0x76: {  	_ =	shalt  }
0x77: {  	_ =	shalt  }
0x78: {  	_ =	shalt  }
0x79: {  	_ =	shalt  }
0x7a: {  	_ =	shalt  }
0x7b: {  	_ =	shalt  }
0x7c: {  	_ =	shalt  }
0x7d: {  	_ =	shalt  }
0x7e: {  	_ =	shalt  }
0x7f: {  	_ =	shalt  }
0x80: {  	_ =	shalt  }
0x81: {  	_ =	shalt  }
0x82: {  	_ =	shalt  }
0x83: {  	_ =	shalt  }
0x84: {  	_ =	shalt  }
0x85: {  	_ =	shalt  }
0x86: {  	_ =	shalt  }
0x87: {  	_ =	shalt  }
.Lfunc_end0:
.L_simem_size_0:
called_computation_lowered:
.L_overlay_start_0:
0x88: {  	s2 =	sld [smem:$0x3FD9]  }
0x89: {  	s3 =	sld [smem:$0x3FFE];
	_ =	sdelay $0x1  }
0x8a: {  	s1 =	srdreg.scid  }
0x8b: {  	s0 =	sand.u32 $0x1, s1  }
0x8c: {  	s17 =	sshll.u32 s0, $0xA;
	s2 =	sadd.s32 s3, s2  }
0x8d: {  	s2 =	sadd.s32 s2, s17  }
0x8e: {  	[smem:$0x3FC7] =	sst s2  }
0x8f: {  	_ = 	snop  }
0x90: {  	s2 =	sld [smem:$0x3FC9];
	(tm) =	ssettm $0x1  }
0x91: {  	s18 =	sld [smem:$0x3FFB];
	_ =	sdelay $0x3  }
0x92: {  	_ =	strace s18  }
0x93: {  	s3 =	sld [smem:$0x3FFC];
	_ =	sdelay $0x3  }
0x94: {  	_ =	strace s3  }
0x95: {  	s3 =	sld [smem:$0x3FFD];
	_ =	sdelay $0x3  }
0x96: {  	_ =	strace s3  }
0x97: {  	_ =	strace $0x8FFFFFFF  }
0x98: {  	s19 =	sld [smem:$0x3FDB];
	_ =	sdelay $0x1  }
0x99: {  	s4 =	simm.s32 $_scs_section_size  }
0x9a: {  	s5 =	simm.s32 $_size__tile_overlayer_lowered;
	s6 =	simm.s32 $_tile_overlayer_lowered  }
0x9b: {  	s22 =	simm.s32 $0x1BFF;
	s21 =	sshll.u32 s6, $0x1;
	s3 =	sadd.s32 s4, s19  }
0x9c: {  	s7 =	simm.s32 $0x0;
	s20 =	sshll.u32 s5, $0x1;
	s5 =	sadd.s32 s21, s3  }
0x9d: {  	[timem:s7], [sflag:s22] =	dma.local [hbm:s5], s20  }
0x9e: {  	_ =	swait.ge [sflag:s22], s20  }
0x9f: {  	s4 =	ssub.s32 $0x0, s20;
	[sflag:s22] =	ssyncset.done $0x0  }
0xa0: {  	[sflag:s22] =	ssyncadd.s32 s4;
	_ =	sdelay $0x1  }
0xa1: {  	s23 =	simm.s32 $0x1B8B  }
0xa2: {  	_ =	swait.ge [sflag:s23], $0x1  }
0xa3: {  	[sflag:s23] =	ssyncset.done $0x0  }
0xa4: {  	s25 =	simm.s32 $0x1B8E;
	s24 =	sld [smem:$0x3FFE];
	[sflag:s23] =	ssyncadd.s32 $0xFFFFFFFF  }
0xa5: {  	s26 =	simm.s32 $execute0_lowered;
	[smem:$0x3FD2] =	sst s25  }
0xa6: {  	s5 =	sshll.u32 s26, $0x1;
	_ =	strace $0x80000046;
	[dreg:$0x1] =	wrdreg $0xFFFFFFFF  }
0xa7: {  	s28 =	simm.s32 $_size_execute0_lowered;
	s3 =	sadd.s32 s3, s5;
	[dreg:$0x0] =	wrdreg $0x0  }
0xa8: {  	s5 =	sshll.u32 s28, $0x1;
	[dreg:$0x2] =	wrdreg s3  }
0xa9: {  	[dreg:$0x3] =	wrdreg s5  }
0xaa: {  	[dreg:$0x4] =	wrdreg $0xC0  }
0xab: {  	_ =	task [dreg:s7], $0x5FFFF  }
0xac: {  	[dreg:$0x1] =	wrdreg $0xFFFFFFFF  }
0xad: {  	[dreg:$0x0] =	wrdreg $0x60  }
0xae: {  	[dreg:$0x2] =	wrdreg s2  }
0xaf: {  	[dreg:$0x3] =	wrdreg s24  }
0xb0: {  	[dreg:$0x4] =	wrdreg $0x9  }
0xb1: {  	_ =	task.clear_ibuf [dreg:s7], $0x5FFFF;
	_ =	strace $0x90000046  }
0xb2: {  	s29 =	simm.s32 $0x9;
	_ =	strace $0x80000048  }
0xb3: {  	_ =	swait.ge [sflag:s29], $0x1  }
0xb4: {  	[sflag:s29] =	ssyncadd.s32 $0xFFFFFFFF  }
0xb5: {  	_ =	strace $0x90000048  }
0xb6: {  	_ =	sfence  }
0xb7: {  	s30 =	sld [smem:$0x0];
	_ =	sdelay $0x2  }
0xb8: {  	s31 =	sshll.u32 s1, $0xD;
	s1 =	sshrl.u32 s1, $0x2  }
0xb9: {  	s3 =	sand.u32 $0x4000, s31;
	s1 =	sadd.s32 s1, s30  }
0xba: {  	s0 =	sor.u32 s3, s0;
	s1 =	sshll.u32 s1, $0x11  }
0xbb: {  	s0 =	sor.u32 s1, s0  }
0xbc: {  	s0 =	sadd.s32 $0x8F2B, s0  }
0xbd: {  	[sflag:s0] =	ssyncadd.remote.s32 $0x1  }
0xbe: {  	_ =	sfence.sel $0xFFFF  }
0xbf: {  	[dreg:$0x0] =	wrdreg $0xFFFFFFFF;
	(pc) =	sbr.abs _section_cstart, $3  }
0xc0: {  	[dreg:$0x1] =	wrdreg $0xFFFFFFFF  }
0xc1: {  	_ =	task.clear_ibuf [dreg:s7], $0x2FFFF;
	_ =	strace $0x9FFFFFFF  }
0xc2: {  	(tm) =	ssettm $0x7FFFFFFF  }
0xc3: {  	_ =	shalt  }
tec
execute0_lowered:
.L_overlay_start_1:
0x0: {  	(tag) =	ssettag $0x1  }
0x1: {  	s3 =	rddreg [dreg:$0x0];
	s1 =	srdreg.scid  }
0x2: {  	s0 =	stileid.u32;
	s7 =	rddreg [dreg:$0x1]  }
0x3: {  	s2 =	simm.s32 $0x0;
	s5 =	simm.s32 $0x20000;
	s6 =	simm.s32 $0x1  }
0x4: {  	s8 =	sand.u32 $0x1, s1;
	s4 =	sshll.u32 s0, $0x1;
	s1 =	rddreg [dreg:$0x2]  }
0x5: {  	[smem:$0x7FF] =	sst s2;
	s9 =	sor.u32 s8, s4;
	s8 =	ssub.s32 $0x2, s8  }
0x6: {  	_ =	strace $0x80000047;
	s4 =	sshll.u32 s9, $0x8;
	s31 =	sshrl.u32 s8, $0x1  }
0x7: {  	s3 =	sadd.s32 s3, s4;
	s4 =	simm.s32 $0x800;
	s8 =	ssub.s32 s8, s31  }
0x8: {  	[tilespmem:s2], [sflag:$0x1] =	stream.strided.gather [hbm4b:s3+s4], $0xC800, s5, s4, $0x38;
	[tilespmem:$0xC880] =	vst v63  }
0x9: {  	s10 =	smax.u32 s8, $0x1;
	_ =	swait.ge [sflag:s6], $0xC800  }
0xa: {  	s9 =	sshll.u32 s9, $0x4;
	p0 =	sne.s32 s10, $0x1;
	[sflag:s6] =	ssyncset.done $0x0  }
.Ltmp0:
0xb: {  	v0 =	vimm.s32 $0x1;
	s7 =	sadd.s32 s9, s7;
	[sflag:s6] =	ssyncadd.s32 $0xFFFF3800;
	(pc) =	sbr.rel @!p0 .LBB2_2-.Ltmp0, $4  }
0xc: {  	s9 =	simm.s32 $0xC800;
	s7 =	sadd.s32 $0x200, s7;
	s8 =	simm.s32 $0x2;
	[tilespmem:$0xC800] =	vst v0  }
0xd: {  	[hbm4b:s7+s2] =	stream.linear.scatter [tilespmem:s9], [sflag:$0x2], $0x80, $0x38;
	[tilespmem:$0xC880] =	vst v63  }
0xe: {  	_ =	swait.ge [sflag:s8], $0x80  }
0xf: {  	s10 =	sadd.s32 $0xFFFFFFFF, s10;
	[sflag:s8] =	ssyncset.done $0x0  }
.LBB2_1:
0x10: {  	p0 =	sne.s32 s10, $0x1;
	s10 =	sadd.s32 $0xFFFFFFFF, s10;
	[sflag:s8] =	ssyncadd.s32 $0xFFFFFF80  }
0x11: {  	[tilespmem:s2], [sflag:$0x1] =	stream.strided.gather [hbm4b:s3+s4], $0xC800, s5, s4, $0x38;
	[tilespmem:$0xC880] =	vst v63  }
0x12: {  	_ =	swait.ge [sflag:s6], $0xC800  }
0x13: {  	[sflag:s6] =	ssyncset.done $0x0  }
.Ltmp1:
0x14: {  	[sflag:s6] =	ssyncadd.s32 $0xFFFF3800;
	(pc) =	sbr.rel @p0 .LBB2_1-.Ltmp1, $4  }
0x15: {  	[tilespmem:$0xC800] =	vst v0  }
0x16: {  	[hbm4b:s7+s2] =	stream.linear.scatter [tilespmem:s9], [sflag:$0x2], $0x80, $0x38;
	[tilespmem:$0xC880] =	vst v63  }
0x17: {  	_ =	swait.ge [sflag:s8], $0x80  }
0x18: {  	[sflag:s8] =	ssyncset.done $0x0  }
.LBB2_2:
0x19: {  	[sflag:s8] =	ssyncadd.s32 $0xFFFFFF80  }
0x1a: {  	_ =	sfence.sel $0x180000  }
0x1b: {  	[bflag:$0x0] =	sbarrier.arrive $0xFFFF  }
0x1c: {  	p0 =	sne.s32 s0, $0x0;
	_ =	strace $0x90000047  }
0x1d: {  	s0 =	sadd.s32 @!p0 $0x100000, s1;
	[bflag:$0x2] =	sbarrier.arrive $0xFFFF  }
0x1e: {  	[sflag:s0] =	ssyncadd.tile.s32 @!p0 $0x1;
	_ =	shalt  }
.Lfunc_end2:
_tile_overlayer_lowered:
.L_overlay_start_2:
0x1f: {  	(tag) =	ssettag $0x2  }
0x20: {  	s0 =	rddreg [dreg:$0x0];
	s2 =	stileid.u32  }
0x21: {  	s1 =	rddreg [dreg:$0x1];
	p0 =	sne.s32 s2, $0x0  }
0x22: {  	s3 =	rddreg [dreg:$0x2];
	[bflag:$0x3] =	sbarrier.arrive $0xFFFF;
	s2 =	simm.s32 @!p0 $0x1C02  }
0x23: {  	[timem:s3], [sflag:s2] =	dma.local @!p0 [hbm:s0], s1  }
0x24: {  	s0 =	simm.s32 @!p0 $0x2  }
0x25: {  	_ =	swait.ge @!p0 [sflag:s0], s1  }
0x26: {  	s1 =	ssub.s32 @!p0 $0x0, s1;
	[sflag:s0] =	ssyncset.done @!p0 $0x0  }
0x27: {  	[sflag:s0] =	ssyncadd.s32 @!p0 s1  }
0x28: {  	[bflag:$0x3] =	sbarrier.arrive $0xFFFF  }
0x29: {  	_ =	shalt  }

</sc_bundles>
